<compile_context>
chip_gen: v7x
topology: tpu7x:2x2x1
jax: 0.10.2.dev20260603
libtpu: 0.0.44.dev20260713+nightly
codegen_flags: <defaults>
</compile_context>

<pallas_src>
import functools

import jax
import jax.numpy as jnp
from jax import lax
from jax.experimental import pallas as pl
from jax.experimental.pallas import tpu as pltpu
from jax.experimental.pallas import tpu_sc as plsc

_L = 16
_SAMPLE = 128
_ROWS_PER_TILE = 16
_CHUNK = 1024


def _sc_sample_gather(flat_ids, table):
    ntok = flat_ids.shape[0]
    nchunks = ntok // _CHUNK
    vec_per_chunk = _CHUNK // _L
    d = table.shape[1]
    mesh = plsc.VectorSubcoreMesh(core_axis_name="c", subcore_axis_name="s",
                                  num_cores=1, num_subcores=8)

    @functools.partial(
        pl.kernel,
        out_type=jax.ShapeDtypeStruct((_SAMPLE, d), jnp.float32),
        mesh=mesh,
        compiler_params=pltpu.CompilerParams(needs_layout_passes=False),
        scratch_types=[
            pltpu.VMEM((_CHUNK,), jnp.int32),
            pltpu.VMEM((_L,), jnp.int32),
            pltpu.VMEM((_ROWS_PER_TILE, d), jnp.float32),
            pltpu.SemaphoreType.DMA,
        ],
    )
    def body(ids_hbm, table_hbm, out_hbm, ids_v, samp_v, rows_v, sem):
        sid = lax.axis_index("s")

        def _work():
            base = sid * _ROWS_PER_TILE
            need = base + _ROWS_PER_TILE
            pltpu.sync_copy(ids_hbm.at[pl.ds(0, _CHUNK)], ids_v)
            fill = plsc.load_gather(ids_v, [jnp.zeros((_L,), jnp.int32)])
            samp_v[pl.ds(0, _L)] = fill

            def scan_chunk(st):
                c, cnt = st

                @pl.when(c > 0)
                def _fetch():
                    pltpu.sync_copy(ids_hbm.at[pl.ds(c * _CHUNK, _CHUNK)],
                                    ids_v)

                def inner(st2):
                    j, cnt2 = st2
                    v = ids_v[pl.ds(j * _L, _L)]
                    m = (v != 0) & (v != 2)
                    inc = plsc.cumsum(jnp.where(m, jnp.int32(1),
                                                jnp.int32(0)))
                    pos = (cnt2 + inc) - 1 - base
                    keep = m & (pos >= 0) & (pos < _ROWS_PER_TILE)
                    plsc.store_scatter(samp_v, [pos], v, mask=keep)
                    return (j + 1, cnt2 + jnp.max(inc))

                _, cnt = lax.while_loop(
                    lambda st2: jnp.logical_and(st2[1] < need,
                                                st2[0] < vec_per_chunk),
                    inner, (jnp.int32(0), cnt))
                return (c + 1, cnt)

            lax.while_loop(
                lambda st: jnp.logical_and(st[1] < need, st[0] < nchunks),
                scan_chunk, (jnp.int32(0), jnp.int32(0)))

            pltpu.async_copy(
                table_hbm.at[samp_v.at[pl.ds(0, _ROWS_PER_TILE)]],
                rows_v, sem).wait()
            pltpu.sync_copy(rows_v, out_hbm.at[pl.ds(base, _ROWS_PER_TILE)])

        _work()

    return body(flat_ids, table)


def _tc_prefix_centroids(prefix2d, batch, plen):

    def body(pref_ref, out_ref):
        p = pref_ref[...]
        for b in range(batch):
            pc = jnp.sum(p[b * plen:(b + 1) * plen, :], axis=0,
                         keepdims=True) * (1.0 / plen)
            pn = jnp.maximum(jnp.sqrt(jnp.sum(pc * pc)), 1e-12)
            out_ref[b:b + 1, :] = pc / pn

    return pl.pallas_call(
        body,
        out_shape=jax.ShapeDtypeStruct((batch, prefix2d.shape[1]),
                                       jnp.float32),
    )(prefix2d)


def _tc_loss(code, pcn, batch):

    def body(code_ref, pcn_ref, loss_ref, sim_ref):
        c = code_ref[...]
        ssq = jnp.sum(c * c, axis=1, keepdims=True)
        inv = 1.0 / jnp.maximum(jnp.sqrt(ssq), 1e-12)
        cen = jnp.sum(c * inv, axis=0, keepdims=True) * (1.0 / c.shape[0])
        cc = cen / jnp.maximum(jnp.sqrt(jnp.sum(cen * cen)), 1e-12)
        sim = jnp.sum(pcn_ref[...] * cc) * (1.0 / batch)
        sim_ref[0, 0] = sim
        loss_ref[0, 0] = (1.0 - sim) * jnp.float32(0.1)

    loss, sim = pl.pallas_call(
        body,
        out_shape=[jax.ShapeDtypeStruct((1, 1), jnp.float32),
                   jax.ShapeDtypeStruct((1, 1), jnp.float32)],
        out_specs=[pl.BlockSpec(memory_space=pltpu.SMEM),
                   pl.BlockSpec(memory_space=pltpu.SMEM)],
    )(code, pcn)
    return loss, sim


def kernel(prefix_embeds, input_ids, embed_table, pad_id, eos_id):
    flat_ids = input_ids.reshape(-1).astype(jnp.int32)
    del pad_id, eos_id
    code = _sc_sample_gather(flat_ids, embed_table)
    b, p, d = prefix_embeds.shape
    pcn = _tc_prefix_centroids(prefix_embeds.reshape(b * p, d), b, p)
    loss, sim = _tc_loss(code, pcn, b)
    return loss.reshape(()), sim.reshape(())

# --- scband reference (transcript-rebuilt; emitter-appended) ---
"""Pipeline reference for scband-alignment-loss-55740085567766 (READ-ONLY COPY).

The authoritative reference and input builder live on the scoring server;
editing this copy changes nothing except your own understanding.
"""

import jax, jax.numpy as jnp
import numpy as np

VOCAB = 100000
D = 1024
B = 4
S = 8192
P = 128
SAMPLE_TOKENS = 128
WEIGHT = 0.1


def _l2norm(x):
    return x / jnp.clip(jnp.linalg.norm(x, axis=-1, keepdims=True), 1e-12)


def setup_inputs(seed: int = 0) -> dict:
    key = jax.random.key(seed)
    k1, k2, k3 = jax.random.split(key, 3)
    prefix_embeds = jax.random.normal(k1, (B, P, D), dtype=jnp.float32)
    input_ids = jax.random.randint(k2, (B, S), 0, VOCAB)
    embed_table = jax.random.normal(k3, (VOCAB, D), dtype=jnp.float32) * 0.02
    return {
        "prefix_embeds": prefix_embeds,
        "input_ids": input_ids,
        "embed_table": embed_table,
        "pad_id": 0,
        "eos_id": 2,
    }


def reference(prefix_embeds, input_ids, embed_table, pad_id, eos_id):
    ignore_id = 0
    # _sample_valid_tokens (random_sample=False -> take first SAMPLE_TOKENS valid ids)
    valid = (input_ids != pad_id) & (input_ids != eos_id) & (input_ids != ignore_id)
    flat_ids = input_ids.reshape(-1)
    valid_flat = valid.reshape(-1)
    (first_valid_idx,) = jnp.nonzero(valid_flat, size=SAMPLE_TOKENS, fill_value=0)
    sampled = flat_ids[first_valid_idx]
    # embed_fn: embedding-table gather
    code_embeds = jnp.take(embed_table, sampled, axis=0)
    # detach_code=True
    code_embeds = jax.lax.stop_gradient(code_embeds)
    # normalize=True
    code_embeds = _l2norm(code_embeds)
    # mode == 'centroid'
    code_centroid = code_embeds.mean(axis=0, keepdims=True)
    code_centroid = _l2norm(code_centroid)
    prefix_centroid = prefix_embeds.mean(axis=1)
    prefix_centroid = _l2norm(prefix_centroid)
    sim = (prefix_centroid * code_centroid).sum(axis=-1).mean()
    loss = (1.0 - sim) * WEIGHT
    return (loss, sim)

if __name__ == "__main__":
    import jax
    _d = setup_inputs()
    print(jax.jit(kernel)(*tuple(_d.values())))

</pallas_src>

<mosaic_0001>
#map = affine_map<(d0, d1) -> (0)>
#map1 = affine_map<(d0, d1) -> (0, 0)>
module attributes {stable_mosaic.version = 14 : i64} {
  func.func @body(%arg0: i32, %arg1: i32, %arg2: memref<32768xi32, #tpu.memory_space<hbm>>, %arg3: memref<100000x1024xf32, #tpu.memory_space<hbm>>, %arg4: memref<128x1024xf32, #tpu.memory_space<hbm>>, %arg5: memref<1024xi32, #tpu.memory_space<vmem>>, %arg6: memref<16xi32, #tpu.memory_space<vmem>>, %arg7: memref<16x1024xf32, #tpu.memory_space<vmem>>, %arg8: memref<!tpu.dma_semaphore, #tpu.memory_space<semaphore_mem>>) attributes {dimension_semantics = [#tpu.dimension_semantics<core_parallel>, #tpu.dimension_semantics<subcore_parallel>], iteration_bounds = array<i64: 1, 8>, scalar_prefetch = 0 : i64, scratch_operands = 4 : i64, tpu.core_type = #tpu.core_type<sc_vector_subcore>, window_params = [{transform_indices = #map}, {transform_indices = #map1}, {transform_indices = #map1}]} {
    %mul3A = arith.constant 16 : i32
    %mul3A_0 = arith.muli %arg1, %mul3A : i32
    %add3A = arith.constant 16 : i32
    %add3A_1 = arith.addi %mul3A_0, %add3A : i32
    "tpu.region"() ({
      %run_scoped3A = tpu.sem_alloc : memref<!tpu.dma_semaphore, #tpu.memory_space<semaphore_mem>>
      %dma_start3A_14 = arith.constant 0 : i32
      %dma_start3A_15 = tpu.memref_slice %arg2[%dma_start3A_14] : memref<32768xi32, #tpu.memory_space<hbm>> -> memref<1024xi32, #tpu.memory_space<hbm>>
      %dma_start3A_16 = arith.constant 0 : i32
      %dma_start3A_17 = tpu.memref_slice %arg2[%dma_start3A_16] : memref<32768xi32, #tpu.memory_space<hbm>> -> memref<1024xi32, #tpu.memory_space<hbm>>
      tpu.enqueue_dma source(%dma_start3A_17 : memref<1024xi32, #tpu.memory_space<hbm>>) target(%arg5 : memref<1024xi32, #tpu.memory_space<vmem>>) target_semaphore(%run_scoped3A : memref<!tpu.dma_semaphore, #tpu.memory_space<semaphore_mem>>)
      %dma_wait3A_18 = arith.constant 0 : i32
      %dma_wait3A_19 = tpu.memref_slice %arg2[%dma_wait3A_18] : memref<32768xi32, #tpu.memory_space<hbm>> -> memref<1024xi32, #tpu.memory_space<hbm>>
      %dma_wait3A_20 = arith.constant 0 : i32
      %dma_wait3A_21 = tpu.memref_slice %arg2[%dma_wait3A_20] : memref<32768xi32, #tpu.memory_space<hbm>> -> memref<1024xi32, #tpu.memory_space<hbm>>
      tpu.wait_dma2 semaphore(%run_scoped3A : memref<!tpu.dma_semaphore, #tpu.memory_space<semaphore_mem>>) src(%dma_wait3A_21 : memref<1024xi32, #tpu.memory_space<hbm>>) dst(%arg5 : memref<1024xi32, #tpu.memory_space<vmem>>)
      tpu.yield
    }) : () -> ()
    %broadcast_in_dim3A = arith.constant 0 : i32
    %broadcast_in_dim3A_2 = vector.broadcast %broadcast_in_dim3A : i32 to vector<16xi32>
    %gather3A = tpu.vector_load_idx %arg5[%broadcast_in_dim3A_2] : memref<1024xi32, #tpu.memory_space<vmem>>[vector<16xi32>], vector<16xi32>,
    %swap3A = arith.constant 0 : index
    %swap3A_3 = tpu.vector_load %arg6[%swap3A] {strides = array<i32>} : memref<16xi32, #tpu.memory_space<vmem>>, vector<16xi32>,
    tpu.vector_store %arg6[%swap3A], %gather3A {strides = array<i32>} : memref<16xi32, #tpu.memory_space<vmem>>, vector<16xi32>,
    %while3A = arith.constant 0 : i32
    %while3A_4 = arith.constant 0 : i32
    %while3A_5:2 = scf.while (%while3A_14 = %while3A, %while3A_15 = %while3A_4) : (i32, i32) -> (i32, i32) {
      %lt3A = arith.cmpi slt, %while3A_15, %add3A_1 : i32
      %lt3A_16 = arith.constant 32 : i32
      %lt3A_17 = arith.cmpi slt, %while3A_14, %lt3A_16 : i32
      %and3A = arith.andi %lt3A, %lt3A_17 : i1
      scf.condition(%and3A) %while3A_14, %while3A_15 : i32, i32
    } do {
    ^bb0(%while3A_14: i32, %while3A_15: i32):
      %gt3A = arith.constant 0 : i32
      %gt3A_16 = arith.cmpi sgt, %while3A_14, %gt3A : i32
      %convert_element_type3A = arith.extui %gt3A_16 : i1 to i32
      %cond3A = arith.constant 0 : i32
      %cond3A_17 = arith.cmpi ne, %convert_element_type3A, %cond3A : i32
      scf.if %cond3A_17 {
        %mul3A_22 = arith.constant 1024 : i32
        %mul3A_23 = arith.muli %while3A_14, %mul3A_22 : i32
        "tpu.region"() ({
          %run_scoped3A = tpu.sem_alloc : memref<!tpu.dma_semaphore, #tpu.memory_space<semaphore_mem>>
          %dma_start3A_24 = tpu.memref_slice %arg2[%mul3A_23] : memref<32768xi32, #tpu.memory_space<hbm>> -> memref<1024xi32, #tpu.memory_space<hbm>>
          %dma_start3A_25 = tpu.memref_slice %arg2[%mul3A_23] : memref<32768xi32, #tpu.memory_space<hbm>> -> memref<1024xi32, #tpu.memory_space<hbm>>
          tpu.enqueue_dma source(%dma_start3A_25 : memref<1024xi32, #tpu.memory_space<hbm>>) target(%arg5 : memref<1024xi32, #tpu.memory_space<vmem>>) target_semaphore(%run_scoped3A : memref<!tpu.dma_semaphore, #tpu.memory_space<semaphore_mem>>)
          %dma_wait3A_26 = tpu.memref_slice %arg2[%mul3A_23] : memref<32768xi32, #tpu.memory_space<hbm>> -> memref<1024xi32, #tpu.memory_space<hbm>>
          %dma_wait3A_27 = tpu.memref_slice %arg2[%mul3A_23] : memref<32768xi32, #tpu.memory_space<hbm>> -> memref<1024xi32, #tpu.memory_space<hbm>>
          tpu.wait_dma2 semaphore(%run_scoped3A : memref<!tpu.dma_semaphore, #tpu.memory_space<semaphore_mem>>) src(%dma_wait3A_27 : memref<1024xi32, #tpu.memory_space<hbm>>) dst(%arg5 : memref<1024xi32, #tpu.memory_space<vmem>>)
          tpu.yield
        }) : () -> ()
      } else {
      }
      %while3A_18 = arith.constant 0 : i32
      %while3A_19:2 = scf.while (%while3A_22 = %while3A_18, %while3A_23 = %while3A_15) : (i32, i32) -> (i32, i32) {
        %lt3A = arith.cmpi slt, %while3A_23, %add3A_1 : i32
        %lt3A_24 = arith.constant 64 : i32
        %lt3A_25 = arith.cmpi slt, %while3A_22, %lt3A_24 : i32
        %and3A = arith.andi %lt3A, %lt3A_25 : i1
        scf.condition(%and3A) %while3A_22, %while3A_23 : i32, i32
      } do {
      ^bb0(%while3A_22: i32, %while3A_23: i32):
        %mul3A_24 = arith.constant 16 : i32
        %mul3A_25 = arith.muli %while3A_22, %mul3A_24 : i32
        %get3A = arith.index_cast %mul3A_25 : i32 to index
        %get3A_26 = tpu.vector_load %arg5[%get3A] {strides = array<i32>} : memref<1024xi32, #tpu.memory_space<vmem>>, vector<16xi32>,
        %ne3A = arith.constant 0 : i32
        %ne3A_27 = vector.broadcast %ne3A : i32 to vector<16xi32>
        %ne3A_28 = arith.cmpi ne, %get3A_26, %ne3A_27 : vector<16xi32>
        %ne3A_29 = arith.constant 2 : i32
        %ne3A_30 = vector.broadcast %ne3A_29 : i32 to vector<16xi32>
        %ne3A_31 = arith.cmpi ne, %get3A_26, %ne3A_30 : vector<16xi32>
        %and3A = arith.andi %ne3A_28, %ne3A_31 : vector<16xi1>
        %jit3A = arith.constant 1 : i32
        %jit3A_32 = arith.constant 0 : i32
        %broadcast_in_dim3A_33 = vector.broadcast %jit3A : i32 to vector<16xi32>
        %broadcast_in_dim3A_34 = vector.broadcast %jit3A_32 : i32 to vector<16xi32>
        %select_n3A = arith.select %and3A, %broadcast_in_dim3A_33, %broadcast_in_dim3A_34 : vector<16xi1>, vector<16xi32>
        %broadcast_in_dim3A_35 = arith.constant true
        %broadcast_in_dim3A_36 = vector.broadcast %broadcast_in_dim3A_35 : i1 to vector<16xi1>
        %masked_cumsum3A = tpu.scan <sum>, %select_n3A masked %broadcast_in_dim3A_36 : vector<16xi32>, vector<16xi1> -> vector<16xi32>
        %add3A_37 = vector.broadcast %while3A_23 : i32 to vector<16xi32>
        %add3A_38 = arith.addi %add3A_37, %masked_cumsum3A : vector<16xi32>
        %sub3A = arith.constant 1 : i32
        %sub3A_39 = vector.broadcast %sub3A : i32 to vector<16xi32>
        %sub3A_40 = arith.subi %add3A_38, %sub3A_39 : vector<16xi32>
        %sub3A_41 = vector.broadcast %mul3A_0 : i32 to vector<16xi32>
        %sub3A_42 = arith.subi %sub3A_40, %sub3A_41 : vector<16xi32>
        %ge3A = arith.constant 0 : i32
        %ge3A_43 = vector.broadcast %ge3A : i32 to vector<16xi32>
        %ge3A_44 = arith.cmpi sge, %sub3A_42, %ge3A_43 : vector<16xi32>
        %and3A_45 = arith.andi %and3A, %ge3A_44 : vector<16xi1>
        %lt3A = arith.constant 16 : i32
        %lt3A_46 = vector.broadcast %lt3A : i32 to vector<16xi32>
        %lt3A_47 = arith.cmpi slt, %sub3A_42, %lt3A_46 : vector<16xi32>
        %and3A_48 = arith.andi %and3A_45, %lt3A_47 : vector<16xi1>
        tpu.vector_store_idx %arg6[%sub3A_42], %get3A_26 masked %and3A_48 : memref<16xi32, #tpu.memory_space<vmem>>[vector<16xi32>], vector<16xi32>, vector<16xi1>
        %add3A_49 = arith.constant 1 : i32
        %add3A_50 = arith.addi %while3A_22, %add3A_49 : i32
        %reduce_max3A = arith.constant true
        %reduce_max3A_51 = vector.broadcast %reduce_max3A : i1 to vector<16xi1>
        %reduce_max3A_52 = arith.constant -2147483648 : i32
        %reduce_max3A_53 = vector.broadcast %reduce_max3A_52 : i32 to vector<16xi32>
        %reduce_max3A_54 = arith.xori %masked_cumsum3A, %reduce_max3A_53 : vector<16xi32>
        %reduce_max3A_55 = tpu.scan <max>, %reduce_max3A_54 masked %reduce_max3A_51 : vector<16xi32>, vector<16xi1> -> vector<16xi32>
        %reduce_max3A_56 = arith.xori %reduce_max3A_55, %reduce_max3A_53 : vector<16xi32>
        %reduce_max3A_57 = vector.extract %reduce_max3A_56[15] : i32 from vector<16xi32>
        %add3A_58 = arith.addi %while3A_23, %reduce_max3A_57 : i32
        scf.yield %add3A_50, %add3A_58 : i32, i32
      }
      %add3A_20 = arith.constant 1 : i32
      %add3A_21 = arith.addi %while3A_14, %add3A_20 : i32
      scf.yield %add3A_21, %while3A_19#1 : i32, i32
    }
    %dma_start3A = arith.constant 0 : i32
    %dma_start3A_6 = tpu.memref_slice %arg6[%dma_start3A] : memref<16xi32, #tpu.memory_space<vmem>> -> memref<16xi32, #tpu.memory_space<vmem>>
    %dma_start3A_7 = arith.constant 0 : i32
    %dma_start3A_8 = arith.constant 0 : i32
    %dma_start3A_9 = tpu.memref_slice %arg3[%dma_start3A_7, %dma_start3A_8] : memref<100000x1024xf32, #tpu.memory_space<hbm>> -> memref<100000x1024xf32, #tpu.memory_space<hbm>>
    tpu.enqueue_indirect_dma source(%dma_start3A_9 : memref<100000x1024xf32, #tpu.memory_space<hbm>>) target(%arg7 : memref<16x1024xf32, #tpu.memory_space<vmem>>) offsets(%dma_start3A_6 : memref<16xi32, #tpu.memory_space<vmem>>) semaphore(%arg8 : memref<!tpu.dma_semaphore, #tpu.memory_space<semaphore_mem>>)
    %dma_wait3A = arith.constant 0 : i32
    %dma_wait3A_10 = tpu.memref_slice %arg6[%dma_wait3A] : memref<16xi32, #tpu.memory_space<vmem>> -> memref<16xi32, #tpu.memory_space<vmem>>
    %dma_wait3A_11 = arith.constant 0 : i32
    %dma_wait3A_12 = arith.constant 0 : i32
    %dma_wait3A_13 = tpu.memref_slice %arg3[%dma_wait3A_11, %dma_wait3A_12] : memref<100000x1024xf32, #tpu.memory_space<hbm>> -> memref<100000x1024xf32, #tpu.memory_space<hbm>>
    tpu.wait_indirect_dma semaphore(%arg8 : memref<!tpu.dma_semaphore, #tpu.memory_space<semaphore_mem>>) src(%dma_wait3A_13 : memref<100000x1024xf32, #tpu.memory_space<hbm>>) dst(%arg7 : memref<16x1024xf32, #tpu.memory_space<vmem>>)
    "tpu.region"() ({
      %run_scoped3A = tpu.sem_alloc : memref<!tpu.dma_semaphore, #tpu.memory_space<semaphore_mem>>
      %dma_start3A_14 = arith.constant 0 : i32
      %dma_start3A_15 = tpu.memref_slice %arg4[%mul3A_0, %dma_start3A_14] : memref<128x1024xf32, #tpu.memory_space<hbm>> -> memref<16x1024xf32, #tpu.memory_space<hbm>>
      %dma_start3A_16 = arith.constant 0 : i32
      %dma_start3A_17 = tpu.memref_slice %arg4[%mul3A_0, %dma_start3A_16] : memref<128x1024xf32, #tpu.memory_space<hbm>> -> memref<16x1024xf32, #tpu.memory_space<hbm>>
      tpu.enqueue_dma source(%arg7 : memref<16x1024xf32, #tpu.memory_space<vmem>>) target(%dma_start3A_17 : memref<16x1024xf32, #tpu.memory_space<hbm>>) target_semaphore(%run_scoped3A : memref<!tpu.dma_semaphore, #tpu.memory_space<semaphore_mem>>)
      %dma_wait3A_18 = arith.constant 0 : i32
      %dma_wait3A_19 = tpu.memref_slice %arg4[%mul3A_0, %dma_wait3A_18] : memref<128x1024xf32, #tpu.memory_space<hbm>> -> memref<16x1024xf32, #tpu.memory_space<hbm>>
      %dma_wait3A_20 = arith.constant 0 : i32
      %dma_wait3A_21 = tpu.memref_slice %arg4[%mul3A_0, %dma_wait3A_20] : memref<128x1024xf32, #tpu.memory_space<hbm>> -> memref<16x1024xf32, #tpu.memory_space<hbm>>
      tpu.wait_dma2 semaphore(%run_scoped3A : memref<!tpu.dma_semaphore, #tpu.memory_space<semaphore_mem>>) src(%arg7 : memref<16x1024xf32, #tpu.memory_space<vmem>>) dst(%dma_wait3A_21 : memref<16x1024xf32, #tpu.memory_space<hbm>>)
      tpu.yield
    }) : () -> ()
    return
  }
}

module attributes {stable_mosaic.version = 14 : i64} {
  func.func @body(%arg0: memref<128x1024xf32, #tpu.memory_space<vmem>>, %arg1: memref<4x1024xf32, #tpu.memory_space<vmem>>, %arg2: memref<1x1xf32, #tpu.memory_space<smem>>, %arg3: memref<1x1xf32, #tpu.memory_space<smem>>) attributes {dimension_semantics = [], scalar_prefetch = 0 : i64, scratch_operands = 0 : i64, tpu.core_type = #tpu.core_type<tc>} {
    %get3A = arith.constant 0 : index
    %get3A_0 = arith.constant 0 : index
    %get3A_1 = vector.load %arg0[%get3A, %get3A_0] : memref<128x1024xf32, #tpu.memory_space<vmem>>, vector<128x1024xf32>
    %mul3A = arith.mulf %get3A_1, %get3A_1 : vector<128x1024xf32>
    %reduce_sum3A = arith.constant dense<0.000000e+00> : vector<128xf32>
    %reduce_sum3A_2 = vector.multi_reduction <add>, %mul3A, %reduce_sum3A [1] : vector<128x1024xf32> to vector<128xf32>
    %broadcast_in_dim3A = vector.shape_cast %reduce_sum3A_2 : vector<128xf32> to vector<128x1xf32>
    %sqrt3A = math.sqrt %broadcast_in_dim3A : vector<128x1xf32>
    %max3A = arith.constant 9.99999996E-13 : f32
    %max3A_3 = vector.broadcast %max3A : f32 to vector<128x1xf32>
    %max3A_4 = arith.maximumf %sqrt3A, %max3A_3 : vector<128x1xf32>
    %div3A = arith.constant 1.000000e+00 : f32
    %div3A_5 = vector.broadcast %div3A : f32 to vector<128x1xf32>
    %div3A_6 = arith.divf %div3A_5, %max3A_4 : vector<128x1xf32>
    %mul3A_7 = vector.broadcast %div3A_6 : vector<128x1xf32> to vector<128x1024xf32>
    %mul3A_8 = arith.mulf %get3A_1, %mul3A_7 : vector<128x1024xf32>
    %reduce_sum3A_9 = arith.constant dense<0.000000e+00> : vector<1024xf32>
    %reduce_sum3A_10 = vector.multi_reduction <add>, %mul3A_8, %reduce_sum3A_9 [0] : vector<128x1024xf32> to vector<1024xf32>
    %broadcast_in_dim3A_11 = vector.shape_cast %reduce_sum3A_10 : vector<1024xf32> to vector<1x1024xf32>
    %mul3A_12 = arith.constant 7.812500e-03 : f32
    %mul3A_13 = vector.broadcast %mul3A_12 : f32 to vector<1x1024xf32>
    %mul3A_14 = arith.mulf %broadcast_in_dim3A_11, %mul3A_13 : vector<1x1024xf32>
    %mul3A_15 = arith.mulf %mul3A_14, %mul3A_14 : vector<1x1024xf32>
    %reduce_sum3A_16 = vector.shape_cast %mul3A_15 : vector<1x1024xf32> to vector<1x1x1024xf32>
    %reduce_sum3A_17 = arith.constant dense<0.000000e+00> : vector<1xf32>
    %reduce_sum3A_18 = vector.multi_reduction <add>, %reduce_sum3A_16, %reduce_sum3A_17 [1, 2] : vector<1x1x1024xf32> to vector<1xf32>
    %reduce_sum3A_19 = vector.shape_cast %reduce_sum3A_18 : vector<1xf32> to vector<1x1x1xf32>
    %reduce_sum3A_20 = vector.extract %reduce_sum3A_19[0, 0, 0] : f32 from vector<1x1x1xf32>
    %sqrt3A_21 = math.sqrt %reduce_sum3A_20 : f32
    %max3A_22 = arith.constant 9.99999996E-13 : f32
    %max3A_23 = arith.maximumf %sqrt3A_21, %max3A_22 : f32
    %div3A_24 = vector.broadcast %max3A_23 : f32 to vector<1x1024xf32>
    %div3A_25 = arith.divf %mul3A_14, %div3A_24 : vector<1x1024xf32>
    %get3A_26 = arith.constant 0 : index
    %get3A_27 = arith.constant 0 : index
    %get3A_28 = vector.load %arg1[%get3A_26, %get3A_27] : memref<4x1024xf32, #tpu.memory_space<vmem>>, vector<4x1024xf32>
    %mul3A_29 = vector.broadcast %div3A_25 : vector<1x1024xf32> to vector<4x1024xf32>
    %mul3A_30 = arith.mulf %get3A_28, %mul3A_29 : vector<4x1024xf32>
    %reduce_sum3A_31 = vector.shape_cast %mul3A_30 : vector<4x1024xf32> to vector<1x4x1024xf32>
    %reduce_sum3A_32 = arith.constant dense<0.000000e+00> : vector<1xf32>
    %reduce_sum3A_33 = vector.multi_reduction <add>, %reduce_sum3A_31, %reduce_sum3A_32 [1, 2] : vector<1x4x1024xf32> to vector<1xf32>
    %reduce_sum3A_34 = vector.shape_cast %reduce_sum3A_33 : vector<1xf32> to vector<1x1x1xf32>
    %reduce_sum3A_35 = vector.extract %reduce_sum3A_34[0, 0, 0] : f32 from vector<1x1x1xf32>
    %mul3A_36 = arith.constant 2.500000e-01 : f32
    %mul3A_37 = arith.mulf %reduce_sum3A_35, %mul3A_36 : f32
    %swap3A = arith.constant 0 : index
    %swap3A_38 = arith.constant 0 : index
    %swap3A_39 = memref.load %arg3[%swap3A, %swap3A_38] : memref<1x1xf32, #tpu.memory_space<smem>>
    memref.store %mul3A_37, %arg3[%swap3A, %swap3A_38] : memref<1x1xf32, #tpu.memory_space<smem>>
    %sub3A = arith.constant 1.000000e+00 : f32
    %sub3A_40 = arith.subf %sub3A, %mul3A_37 : f32
    %mul3A_41 = arith.constant 1.000000e-01 : f32
    %mul3A_42 = arith.mulf %sub3A_40, %mul3A_41 : f32
    %swap3A_43 = arith.constant 0 : index
    %swap3A_44 = arith.constant 0 : index
    %swap3A_45 = memref.load %arg2[%swap3A_43, %swap3A_44] : memref<1x1xf32, #tpu.memory_space<smem>>
    memref.store %mul3A_42, %arg2[%swap3A_43, %swap3A_44] : memref<1x1xf32, #tpu.memory_space<smem>>
    return
  }
}

module attributes {stable_mosaic.version = 14 : i64} {
  func.func @body(%arg0: memref<512x1024xf32, #tpu.memory_space<vmem>>, %arg1: memref<4x1024xf32, #tpu.memory_space<vmem>>) attributes {dimension_semantics = [], scalar_prefetch = 0 : i64, scratch_operands = 0 : i64, tpu.core_type = #tpu.core_type<tc>} {
    %get3A = arith.constant 0 : index
    %get3A_0 = arith.constant 0 : index
    %get3A_1 = vector.load %arg0[%get3A, %get3A_0] : memref<512x1024xf32, #tpu.memory_space<vmem>>, vector<512x1024xf32>
    %slice3A = vector.extract_strided_slice %get3A_1 {offsets = [0, 0], sizes = [128, 1024], strides = [1, 1]} : vector<512x1024xf32> to vector<128x1024xf32>
    %reduce_sum3A = arith.constant dense<0.000000e+00> : vector<1024xf32>
    %reduce_sum3A_2 = vector.multi_reduction <add>, %slice3A, %reduce_sum3A [0] : vector<128x1024xf32> to vector<1024xf32>
    %broadcast_in_dim3A = vector.shape_cast %reduce_sum3A_2 : vector<1024xf32> to vector<1x1024xf32>
    %mul3A = arith.constant 7.812500e-03 : f32
    %mul3A_3 = vector.broadcast %mul3A : f32 to vector<1x1024xf32>
    %mul3A_4 = arith.mulf %broadcast_in_dim3A, %mul3A_3 : vector<1x1024xf32>
    %mul3A_5 = arith.mulf %mul3A_4, %mul3A_4 : vector<1x1024xf32>
    %reduce_sum3A_6 = vector.shape_cast %mul3A_5 : vector<1x1024xf32> to vector<1x1x1024xf32>
    %reduce_sum3A_7 = arith.constant dense<0.000000e+00> : vector<1xf32>
    %reduce_sum3A_8 = vector.multi_reduction <add>, %reduce_sum3A_6, %reduce_sum3A_7 [1, 2] : vector<1x1x1024xf32> to vector<1xf32>
    %reduce_sum3A_9 = vector.shape_cast %reduce_sum3A_8 : vector<1xf32> to vector<1x1x1xf32>
    %reduce_sum3A_10 = vector.extract %reduce_sum3A_9[0, 0, 0] : f32 from vector<1x1x1xf32>
    %sqrt3A = math.sqrt %reduce_sum3A_10 : f32
    %max3A = arith.constant 9.99999996E-13 : f32
    %max3A_11 = arith.maximumf %sqrt3A, %max3A : f32
    %div3A = vector.broadcast %max3A_11 : f32 to vector<1x1024xf32>
    %div3A_12 = arith.divf %mul3A_4, %div3A : vector<1x1024xf32>
    %swap3A = arith.constant 0 : index
    %swap3A_13 = arith.constant 0 : index
    %swap3A_14 = vector.load %arg1[%swap3A, %swap3A_13] : memref<4x1024xf32, #tpu.memory_space<vmem>>, vector<1x1024xf32>
    tpu.vector_store %arg1[%swap3A, %swap3A_13], %div3A_12 {strides = array<i32>} : memref<4x1024xf32, #tpu.memory_space<vmem>>, vector<1x1024xf32>,
    %slice3A_15 = vector.extract_strided_slice %get3A_1 {offsets = [128, 0], sizes = [128, 1024], strides = [1, 1]} : vector<512x1024xf32> to vector<128x1024xf32>
    %reduce_sum3A_16 = arith.constant dense<0.000000e+00> : vector<1024xf32>
    %reduce_sum3A_17 = vector.multi_reduction <add>, %slice3A_15, %reduce_sum3A_16 [0] : vector<128x1024xf32> to vector<1024xf32>
    %broadcast_in_dim3A_18 = vector.shape_cast %reduce_sum3A_17 : vector<1024xf32> to vector<1x1024xf32>
    %mul3A_19 = arith.constant 7.812500e-03 : f32
    %mul3A_20 = vector.broadcast %mul3A_19 : f32 to vector<1x1024xf32>
    %mul3A_21 = arith.mulf %broadcast_in_dim3A_18, %mul3A_20 : vector<1x1024xf32>
    %mul3A_22 = arith.mulf %mul3A_21, %mul3A_21 : vector<1x1024xf32>
    %reduce_sum3A_23 = vector.shape_cast %mul3A_22 : vector<1x1024xf32> to vector<1x1x1024xf32>
    %reduce_sum3A_24 = arith.constant dense<0.000000e+00> : vector<1xf32>
    %reduce_sum3A_25 = vector.multi_reduction <add>, %reduce_sum3A_23, %reduce_sum3A_24 [1, 2] : vector<1x1x1024xf32> to vector<1xf32>
    %reduce_sum3A_26 = vector.shape_cast %reduce_sum3A_25 : vector<1xf32> to vector<1x1x1xf32>
    %reduce_sum3A_27 = vector.extract %reduce_sum3A_26[0, 0, 0] : f32 from vector<1x1x1xf32>
    %sqrt3A_28 = math.sqrt %reduce_sum3A_27 : f32
    %max3A_29 = arith.constant 9.99999996E-13 : f32
    %max3A_30 = arith.maximumf %sqrt3A_28, %max3A_29 : f32
    %div3A_31 = vector.broadcast %max3A_30 : f32 to vector<1x1024xf32>
    %div3A_32 = arith.divf %mul3A_21, %div3A_31 : vector<1x1024xf32>
    %swap3A_33 = arith.constant 1 : index
    %swap3A_34 = arith.constant 0 : index
    %swap3A_35 = vector.load %arg1[%swap3A_33, %swap3A_34] : memref<4x1024xf32, #tpu.memory_space<vmem>>, vector<1x1024xf32>
    tpu.vector_store %arg1[%swap3A_33, %swap3A_34], %div3A_32 {strides = array<i32>} : memref<4x1024xf32, #tpu.memory_space<vmem>>, vector<1x1024xf32>,
    %slice3A_36 = vector.extract_strided_slice %get3A_1 {offsets = [256, 0], sizes = [128, 1024], strides = [1, 1]} : vector<512x1024xf32> to vector<128x1024xf32>
    %reduce_sum3A_37 = arith.constant dense<0.000000e+00> : vector<1024xf32>
    %reduce_sum3A_38 = vector.multi_reduction <add>, %slice3A_36, %reduce_sum3A_37 [0] : vector<128x1024xf32> to vector<1024xf32>
    %broadcast_in_dim3A_39 = vector.shape_cast %reduce_sum3A_38 : vector<1024xf32> to vector<1x1024xf32>
    %mul3A_40 = arith.constant 7.812500e-03 : f32
    %mul3A_41 = vector.broadcast %mul3A_40 : f32 to vector<1x1024xf32>
    %mul3A_42 = arith.mulf %broadcast_in_dim3A_39, %mul3A_41 : vector<1x1024xf32>
    %mul3A_43 = arith.mulf %mul3A_42, %mul3A_42 : vector<1x1024xf32>
    %reduce_sum3A_44 = vector.shape_cast %mul3A_43 : vector<1x1024xf32> to vector<1x1x1024xf32>
    %reduce_sum3A_45 = arith.constant dense<0.000000e+00> : vector<1xf32>
    %reduce_sum3A_46 = vector.multi_reduction <add>, %reduce_sum3A_44, %reduce_sum3A_45 [1, 2] : vector<1x1x1024xf32> to vector<1xf32>
    %reduce_sum3A_47 = vector.shape_cast %reduce_sum3A_46 : vector<1xf32> to vector<1x1x1xf32>
    %reduce_sum3A_48 = vector.extract %reduce_sum3A_47[0, 0, 0] : f32 from vector<1x1x1xf32>
    %sqrt3A_49 = math.sqrt %reduce_sum3A_48 : f32
    %max3A_50 = arith.constant 9.99999996E-13 : f32
    %max3A_51 = arith.maximumf %sqrt3A_49, %max3A_50 : f32
    %div3A_52 = vector.broadcast %max3A_51 : f32 to vector<1x1024xf32>
    %div3A_53 = arith.divf %mul3A_42, %div3A_52 : vector<1x1024xf32>
    %swap3A_54 = arith.constant 2 : index
    %swap3A_55 = arith.constant 0 : index
    %swap3A_56 = vector.load %arg1[%swap3A_54, %swap3A_55] : memref<4x1024xf32, #tpu.memory_space<vmem>>, vector<1x1024xf32>
    tpu.vector_store %arg1[%swap3A_54, %swap3A_55], %div3A_53 {strides = array<i32>} : memref<4x1024xf32, #tpu.memory_space<vmem>>, vector<1x1024xf32>,
    %slice3A_57 = vector.extract_strided_slice %get3A_1 {offsets = [384, 0], sizes = [128, 1024], strides = [1, 1]} : vector<512x1024xf32> to vector<128x1024xf32>
    %reduce_sum3A_58 = arith.constant dense<0.000000e+00> : vector<1024xf32>
    %reduce_sum3A_59 = vector.multi_reduction <add>, %slice3A_57, %reduce_sum3A_58 [0] : vector<128x1024xf32> to vector<1024xf32>
    %broadcast_in_dim3A_60 = vector.shape_cast %reduce_sum3A_59 : vector<1024xf32> to vector<1x1024xf32>
    %mul3A_61 = arith.constant 7.812500e-03 : f32
    %mul3A_62 = vector.broadcast %mul3A_61 : f32 to vector<1x1024xf32>
    %mul3A_63 = arith.mulf %broadcast_in_dim3A_60, %mul3A_62 : vector<1x1024xf32>
    %mul3A_64 = arith.mulf %mul3A_63, %mul3A_63 : vector<1x1024xf32>
    %reduce_sum3A_65 = vector.shape_cast %mul3A_64 : vector<1x1024xf32> to vector<1x1x1024xf32>
    %reduce_sum3A_66 = arith.constant dense<0.000000e+00> : vector<1xf32>
    %reduce_sum3A_67 = vector.multi_reduction <add>, %reduce_sum3A_65, %reduce_sum3A_66 [1, 2] : vector<1x1x1024xf32> to vector<1xf32>
    %reduce_sum3A_68 = vector.shape_cast %reduce_sum3A_67 : vector<1xf32> to vector<1x1x1xf32>
    %reduce_sum3A_69 = vector.extract %reduce_sum3A_68[0, 0, 0] : f32 from vector<1x1x1xf32>
    %sqrt3A_70 = math.sqrt %reduce_sum3A_69 : f32
    %max3A_71 = arith.constant 9.99999996E-13 : f32
    %max3A_72 = arith.maximumf %sqrt3A_70, %max3A_71 : f32
    %div3A_73 = vector.broadcast %max3A_72 : f32 to vector<1x1024xf32>
    %div3A_74 = arith.divf %mul3A_63, %div3A_73 : vector<1x1024xf32>
    %swap3A_75 = arith.constant 3 : index
    %swap3A_76 = arith.constant 0 : index
    %swap3A_77 = vector.load %arg1[%swap3A_75, %swap3A_76] : memref<4x1024xf32, #tpu.memory_space<vmem>>, vector<1x1024xf32>
    tpu.vector_store %arg1[%swap3A_75, %swap3A_76], %div3A_74 {strides = array<i32>} : memref<4x1024xf32, #tpu.memory_space<vmem>>, vector<1x1024xf32>,
    return
  }
}

</mosaic_0001>

<sc_bundles>
// kernel: kernel.5.cloned.1.call-start
scs
__scs_entry_jumppad:
0x0: {  	(pc) =	sbr.rel $0x88, $3  }
0x1: {  	(tag) =	ssettag $0x0;
	lr =	simm.s32 $0x1  }
0x2: {  	[smem:$0x3F9E] =	sst lr;
	_ =	strace $0xD0000000  }
0x3: {  	_ = 	snop  }
0x4: {  	_ = 	snop  }
0x5: {  	_ = 	snop  }
0x6: {  	_ = 	snop  }
0x7: {  	_ = 	snop  }
__scs_overlays_trampoline_lowered:
0x8: {  	[smem:$0x3FAD] =	sst s0  }
0x9: {  	[smem:$0x3FAE] =	sst s1  }
0xa: {  	[smem:$0x3FAF] =	sst s2  }
0xb: {  	[smem:$0x3FB0] =	sst s3  }
0xc: {  	[smem:$0x3FB1] =	sst s4  }
0xd: {  	[smem:$0x3FB2] =	sst s5  }
0xe: {  	[smem:$0x3FB3] =	sst s6  }
0xf: {  	[smem:$0x3FB4] =	sst s7  }
0x10: {  	[smem:$0x3FB5] =	sst s8  }
0x11: {  	[smem:$0x3FB6] =	sst s9;
	s0 =	simm.s32 @!p0 $0x0  }
0x12: {  	s1 =	sld [smem:$0x3F9C];
	s0 =	simm.s32 @p0 $0x1  }
0x13: {  	[smem:$0x3FB7] =	sst s0;
	s0 =	simm.s32 @!p1 $0x0  }
0x14: {  	s2 =	sld [smem:$0x3F9B];
	s0 =	simm.s32 @p1 $0x1  }
0x15: {  	[smem:$0x3FB8] =	sst s0;
	s0 =	simm.s32 @!p2 $0x0  }
0x16: {  	s3 =	sld [smem:$0x3FDB];
	s0 =	simm.s32 @p2 $0x1  }
0x17: {  	s4 =	simm.s32 $0x1BF5;
	[smem:$0x3FBA] =	sst s0  }
0x18: {  	s0 =	sld [smem:$0x3F9D];
	_ =	swait.ge [sflag:s4], $0x0  }
0x19: {  	s7 =	sld [smem:$0x3F9E]  }
0x1a: {  	s8 =	sadd.s32 $0xFFFFE003, lr  }
0x1b: {  	s9 =	sadd.s32 $0xFFFFFEF7, lr;
	s5 =	simm.s32 $0xFFFFFFFF;
	p2 =	slt.u32 s8, $0xFFFFF086  }
0x1c: {  	p1 =	slt.u32 s9, $0xF7A;
	s5 =	simm.s32 @!p2 $0x0  }
0x1d: {  	s5 =	simm.s32 @p1 $0x1;
	p0 =	seq.s32 s7, s2  }
0x1e: {  	s7 =	smul.u32 @!p0 $0xF7A, s2;
	p2 =	seq.s32 @!p0 s5, $0x0  }
0x1f: {  	s9 =	smul.u32 $0xF7A, s1;
	s8 =	simm.s32 @!p0 $0x1BF5;
	p2 =	por !p2, p0  }
0x20: {  	[sflag:s8] =	ssyncset.s32 @!p0 $0xFFFFF086;
	s6 =	sadd.s32 @!p0 s3, s7;
	s7 =	simm.s32 @!p0 $0x108  }
0x21: {  	s3 =	sadd.s32 s3, s9;
	s6 =	sadd.s32 @!p0 $0x88, s6;
	s7 =	simm.s32 @p2 $0x1082  }
0x22: {  	[simem:s7], [sflag:s8] =	dma.local @!p0 [hbm:s6], $0xF7A  }
0x23: {  	s9 =	sor.u32 $0xD0000000, s2;
	s6 =	simm.s32 $0x108;
	_ =	swait.ge @!p0 [sflag:s8], $0x0  }
0x24: {  	s3 =	sadd.s32 $0x88, s3;
	s6 =	simm.s32 @!p1 $0x1082;
	[sflag:s4] =	ssyncset.s32 $0xFFFFF086  }
0x25: {  	[simem:s6], [sflag:s4] =	dma.local [hbm:s3], $0xF7A  }
0x26: {  	[smem:$0x3F9E] =	sst s1;
	(tag) =	ssettag s2;
	_ =	strace s9  }
0x27: {  	s1 =	sld [smem:$0x3FAE]  }
0x28: {  	s2 =	sld [smem:$0x3FAF]  }
0x29: {  	s4 =	sld [smem:$0x3FB1]  }
0x2a: {  	p0 =	seq.s32 s5, $0x0;
	s5 =	sld [smem:$0x3FB2]  }
0x2b: {  	s6 =	sld [smem:$0x3FB3]  }
0x2c: {  	s7 =	sld [smem:$0x3FB4]  }
0x2d: {  	s3 =	simm.s32 $0x108;
	s8 =	sld [smem:$0x3FB5]  }
0x2e: {  	s3 =	simm.s32 @!p0 $0x1082;
	s9 =	sld [smem:$0x3FB6]  }
0x2f: {  	lr =	sadd.s32 s0, s3;
	s0 =	sld [smem:$0x3FAD]  }
0x30: {  	s3 =	sld [smem:$0x3FB0]  }
0x31: {  	[smem:$0x3FB9] =	sst s10  }
0x32: {  	s10 =	sld [smem:$0x3FB7];
	_ =	sdelay $0x3  }
0x33: {  	p0 =	seq.s32 s10, $0x1;
	s10 =	sld [smem:$0x3FB9];
	_ =	sdelay $0x3  }
0x34: {  	[smem:$0x3FB9] =	sst s10  }
0x35: {  	s10 =	sld [smem:$0x3FB8];
	_ =	sdelay $0x3  }
0x36: {  	p1 =	seq.s32 s10, $0x1;
	s10 =	sld [smem:$0x3FB9];
	_ =	sdelay $0x3  }
0x37: {  	[smem:$0x3FB9] =	sst s10  }
0x38: {  	s10 =	sld [smem:$0x3FBA]  }
0x39: {  	_ = 	snop;
	(pc) =	sbr.ind lr, $3  }
0x3a: {  	_ = 	snop  }
0x3b: {  	_ = 	snop  }
0x3c: {  	p2 =	seq.s32 s10, $0x1;
	s10 =	sld [smem:$0x3FB9]  }
0x3d: {  	_ =	shalt  }
0x3e: {  	_ =	shalt  }
0x3f: {  	_ =	shalt  }
0x40: {  	_ =	shalt  }
0x41: {  	_ =	shalt  }
0x42: {  	_ =	shalt  }
0x43: {  	_ =	shalt  }
0x44: {  	_ =	shalt  }
0x45: {  	_ =	shalt  }
0x46: {  	_ =	shalt  }
0x47: {  	_ =	shalt  }
0x48: {  	_ =	shalt  }
0x49: {  	_ =	shalt  }
0x4a: {  	_ =	shalt  }
0x4b: {  	_ =	shalt  }
0x4c: {  	_ =	shalt  }
0x4d: {  	_ =	shalt  }
0x4e: {  	_ =	shalt  }
0x4f: {  	_ =	shalt  }
0x50: {  	_ =	shalt  }
0x51: {  	_ =	shalt  }
0x52: {  	_ =	shalt  }
0x53: {  	_ =	shalt  }
0x54: {  	_ =	shalt  }
0x55: {  	_ =	shalt  }
0x56: {  	_ =	shalt  }
0x57: {  	_ =	shalt  }
0x58: {  	_ =	shalt  }
0x59: {  	_ =	shalt  }
0x5a: {  	_ =	shalt  }
0x5b: {  	_ =	shalt  }
0x5c: {  	_ =	shalt  }
0x5d: {  	_ =	shalt  }
0x5e: {  	_ =	shalt  }
0x5f: {  	_ =	shalt  }
0x60: {  	_ =	shalt  }
0x61: {  	_ =	shalt  }
0x62: {  	_ =	shalt  }
0x63: {  	_ =	shalt  }
0x64: {  	_ =	shalt  }
0x65: {  	_ =	shalt  }
0x66: {  	_ =	shalt  }
0x67: {  	_ =	shalt  }
0x68: {  	_ =	shalt  }
0x69: {  	_ =	shalt  }
0x6a: {  	_ =	shalt  }
0x6b: {  	_ =	shalt  }
0x6c: {  	_ =	shalt  }
0x6d: {  	_ =	shalt  }
0x6e: {  	_ =	shalt  }
0x6f: {  	_ =	shalt  }
0x70: {  	_ =	shalt  }
0x71: {  	_ =	shalt  }
0x72: {  	_ =	shalt  }
0x73: {  	_ =	shalt  }
0x74: {  	_ =	shalt  }
0x75: {  	_ =	shalt  }
0x76: {  	_ =	shalt  }
0x77: {  	_ =	shalt  }
0x78: {  	_ =	shalt  }
0x79: {  	_ =	shalt  }
0x7a: {  	_ =	shalt  }
0x7b: {  	_ =	shalt  }
0x7c: {  	_ =	shalt  }
0x7d: {  	_ =	shalt  }
0x7e: {  	_ =	shalt  }
0x7f: {  	_ =	shalt  }
0x80: {  	_ =	shalt  }
0x81: {  	_ =	shalt  }
0x82: {  	_ =	shalt  }
0x83: {  	_ =	shalt  }
0x84: {  	_ =	shalt  }
0x85: {  	_ =	shalt  }
0x86: {  	_ =	shalt  }
0x87: {  	_ =	shalt  }
.Lfunc_end0:
.L_simem_size_0:
called_computation_lowered:
.L_overlay_start_0:
0x88: {  	s0 =	sld [smem:$0x3FD9]  }
0x89: {  	s1 =	sld [smem:$0x3FFE];
	_ =	sdelay $0x3  }
0x8a: {  	s0 =	sadd.s32 s1, s0  }
0x8b: {  	[smem:$0x3FC5] =	sst s0  }
0x8c: {  	_ = 	snop  }
0x8d: {  	s0 =	sld [smem:$0x3FC7];
	(tm) =	ssettm $0x1  }
0x8e: {  	s16 =	sld [smem:$0x3FFB];
	_ =	sdelay $0x3  }
0x8f: {  	_ =	strace s16  }
0x90: {  	s1 =	sld [smem:$0x3FFC];
	_ =	sdelay $0x3  }
0x91: {  	_ =	strace s1  }
0x92: {  	s1 =	sld [smem:$0x3FFD];
	_ =	sdelay $0x3  }
0x93: {  	_ =	strace s1  }
0x94: {  	_ =	strace $0x8FFFFFFF  }
0x95: {  	s17 =	sld [smem:$0x3FDB];
	_ =	sdelay $0x1  }
0x96: {  	s2 =	simm.s32 $_scs_section_size  }
0x97: {  	s3 =	simm.s32 $_size__tile_overlayer_lowered;
	s4 =	simm.s32 $_tile_overlayer_lowered  }
0x98: {  	s20 =	simm.s32 $0x1BFF;
	s19 =	sshll.u32 s4, $0x1;
	s1 =	sadd.s32 s2, s17  }
0x99: {  	s5 =	simm.s32 $0x0;
	s18 =	sshll.u32 s3, $0x1;
	s3 =	sadd.s32 s19, s1  }
0x9a: {  	[timem:s5], [sflag:s20] =	dma.local [hbm:s3], s18  }
0x9b: {  	_ =	swait.ge [sflag:s20], s18  }
0x9c: {  	s2 =	ssub.s32 $0x0, s18;
	[sflag:s20] =	ssyncset.done $0x0  }
0x9d: {  	[sflag:s20] =	ssyncadd.s32 s2;
	_ =	sdelay $0x1  }
0x9e: {  	s21 =	simm.s32 $0x1B8B  }
0x9f: {  	_ =	swait.ge [sflag:s21], $0x1  }
0xa0: {  	[sflag:s21] =	ssyncset.done $0x0  }
0xa1: {  	s23 =	simm.s32 $0x1B8E;
	s22 =	sld [smem:$0x3FFE];
	[sflag:s21] =	ssyncadd.s32 $0xFFFFFFFF  }
0xa2: {  	s24 =	simm.s32 $execute0_lowered;
	[smem:$0x3FD2] =	sst s23  }
0xa3: {  	s3 =	sshll.u32 s24, $0x1;
	_ =	strace $0x80000046;
	[dreg:$0x1] =	wrdreg $0xFFFFFFFF  }
0xa4: {  	s25 =	simm.s32 $_size_execute0_lowered;
	s1 =	sadd.s32 s1, s3;
	[dreg:$0x0] =	wrdreg $0x0  }
0xa5: {  	s3 =	sshll.u32 s25, $0x1;
	[dreg:$0x2] =	wrdreg s1  }
0xa6: {  	[dreg:$0x3] =	wrdreg s3  }
0xa7: {  	[dreg:$0x4] =	wrdreg $0xC0  }
0xa8: {  	_ =	task [dreg:s5], $0x5FFFF  }
0xa9: {  	[dreg:$0x1] =	wrdreg $0xFFFFFFFF  }
0xaa: {  	[dreg:$0x0] =	wrdreg $0x60  }
0xab: {  	[dreg:$0x2] =	wrdreg s22  }
0xac: {  	[dreg:$0x3] =	wrdreg s0  }
0xad: {  	[dreg:$0x4] =	wrdreg $0x9  }
0xae: {  	_ =	task.clear_ibuf [dreg:s5], $0x5FFFF;
	_ =	strace $0x90000046  }
0xaf: {  	s26 =	simm.s32 $0x9;
	_ =	strace $0x80000048  }
0xb0: {  	_ =	swait.ge [sflag:s26], $0x1  }
0xb1: {  	[sflag:s26] =	ssyncadd.s32 $0xFFFFFFFF  }
0xb2: {  	_ =	strace $0x90000048  }
0xb3: {  	_ =	sfence  }
0xb4: {  	s28 =	sld [smem:$0x0];
	_ =	sdelay $0x1  }
0xb5: {  	s29 =	srdreg.scid  }
0xb6: {  	s30 =	sshll.u32 s29, $0xD;
	s31 =	sshrl.u32 s29, $0x2  }
0xb7: {  	s2 =	sand.u32 $0x4000, s30;
	s1 =	sand.u32 $0x1, s29;
	s0 =	sadd.s32 s31, s28  }
0xb8: {  	s1 =	sor.u32 s2, s1;
	s0 =	sshll.u32 s0, $0x11  }
0xb9: {  	s0 =	sor.u32 s0, s1  }
0xba: {  	s0 =	sadd.s32 $0x8F2B, s0  }
0xbb: {  	[sflag:s0] =	ssyncadd.remote.s32 $0x1  }
0xbc: {  	_ =	sfence.sel $0xFFFF  }
0xbd: {  	[dreg:$0x0] =	wrdreg $0xFFFFFFFF;
	(pc) =	sbr.abs _section_cstart, $3  }
0xbe: {  	[dreg:$0x1] =	wrdreg $0xFFFFFFFF  }
0xbf: {  	_ =	task.clear_ibuf [dreg:s5], $0x2FFFF;
	_ =	strace $0x9FFFFFFF  }
0xc0: {  	(tm) =	ssettm $0x7FFFFFFF  }
0xc1: {  	_ =	shalt  }
tec
execute0_lowered:
.L_overlay_start_1:
0x0: {  	(tag) =	ssettag $0x1  }
0x1: {  	s1 =	stileid.u32  }
0x2: {  	p0 =	sgt.u32 s1, $0x7  }
.Ltmp0:
0x3: {  	_ = 	snop;
	(pc) =	sbr.rel @p0 .LBB2_7-.Ltmp0, $4  }
0x4: {  	s3 =	rddreg [dreg:$0x0]  }
0x5: {  	s2 =	rddreg [dreg:$0x1];
	s7 =	simm.s32 $0x0  }
0x6: {  	[smem:$0x7FF] =	sst s7  }
0x7: {  	s0 =	rddreg [dreg:$0x2];
	_ =	strace $0x80000047  }
0x8: {  	s8 =	sadd.s32 $0xA00, s3;
	s4 =	simm.s32 $0x2  }
0x9: {  	[tilespmem:s7], [sflag:$0x2] =	stream.linear.gather [hbm4b:s8+s7], $0x400, $0x38;
	[tilespmem:$0x4480] =	vst v63  }
0xa: {  	_ =	swait.ge [sflag:s4], $0x400  }
0xb: {  	[sflag:s4] =	ssyncset.done $0x0  }
0xc: {  	[sflag:s4] =	ssyncadd.s32 $0xFFFFFC00  }
0xd: {  	v1 =	vld.msk [tilespmem:s7+$0x0], $0xffff  }
.Ltmp1:
0xe: {  	_ = 	snop;
	(pc) =	sbr.rel .LBB2_2-.Ltmp1, $4  }
0xf: {  	s30 =	sshll.u32 s1, $0x4  }
0x10: {  	s31 =	sadd.s32 $0x1A00, s3;
	s5 =	sadd.s32 $0x100, s2;
	s6 =	sadd.s32 $0x200, s2  }
0x11: {  	s10 =	sshll.u32 s1, $0xB;
	s11 =	simm.s32 $0x0;
	s9 =	sadd.s32 $0x10, s30;
	v0 =	vmov s30  }
0x12: {  	s3 =	sadd.s32 s31, s10;
	s10 =	simm.s32 $0x400;
	v0 =	vxor.u32 $0xFFFFFFFF, v0;
	s4 =	sadd.s32 $0x300, s2;
	[tilespmem:$0x400] =	vst v1;
	v1 =	vimm.s32 $0x0  }
.LBB2_5:
0x13: {  	p0 =	sgt.u32 s7, $0x1E  }
0x14: {  	p1 =	slt.s32 @!p0 s11, s9  }
0x15: {  	p0 =	por p0, !p1  }
.Ltmp2:
0x16: {  	_ = 	snop;
	(pc) =	sbr.rel @p0 .LBB2_6-.Ltmp2, $2  }
0x17: {  	_ =	sdelay $0x2  }
0x18: {  	s7 =	sadd.s32 $0x1, s7  }
.LBB2_2:
0x19: {  	p0 =	seq.s32 s7, $0x0  }
0x1a: {  	s12 =	sshll.u32 @!p0 s7, $0x7  }
0x1b: {  	p1 =	sge.s32 s11, s9;
	s13 =	simm.s32 @!p0 $0x0;
	s12 =	sadd.s32 @!p0 s8, s12  }
0x1c: {  	[tilespmem:s13], [sflag:$0x2] =	stream.linear.gather @!p0 [hbm4b:s12+s13], $0x400, $0x38;
	[tilespmem:$0x4480] =	vst v63  }
.Ltmp3:
0x1d: {  	_ = 	snop;
	(pc) =	sbr.rel @p1 .LBB2_5-.Ltmp3, $4  }
0x1e: {  	s12 =	simm.s32 @!p0 $0x2  }
0x1f: {  	_ =	swait.ge @!p0 [sflag:s12], $0x400  }
0x20: {  	[sflag:s12] =	ssyncset.done @!p0 $0x0  }
0x21: {  	s13 =	simm.s32 $0x0;
	[sflag:s12] =	ssyncadd.s32 @!p0 $0xFFFFFC00;
	s12 =	simm.s32 $0x0  }
.LBB2_3:
0x22: {  	v2 =	vld [tilespmem:s12+$0x0];
	_ =	sdelay $0x4  }
0x23: {  	v3 =	vand.u32 $0xFFFFFFFD, v2  }
0x24: {  	vm0 =	vne.s32 v3, $0x0  }
0x25: {  	v3 =	vsel vm0, $0x1, v1  }
0x26: {  	(xrf0) =	vadd.scan.msk.s32 $0xffff, v3;
	_ =	sdelay $0x5  }
0x27: {  	v3, _, _ =	vpop (xrf0)  }
0x28: {  	v4 =	vxor.u32 $0x80000000, v3  }
0x29: {  	(xrf0) =	vmax.scan.msk.u32 $0xffff, v4;
	_ =	sdelay $0x5  }
0x2a: {  	v4, _, _ =	vpop (xrf0)  }
0x2b: {  	(v2sf) =	vpush v4, $0xF;
	_ =	sdelay $0xc  }
0x2c: {  	v63 =	vadd.s32 s11, v0  }
0x2d: {  	v4 =	vbroadcast v63, $0x0  }
0x2e: {  	s14 =	spop (v2sf)  }
0x2f: {  	v3 =	vadd.s32 v4, v3;
	s31 =	sadd.s32 s14, s11  }
0x30: {  	p0 =	sgt.u32 s13, $0x3E;
	vm1 =	vlt.u32 v3, $0x10;
	s11 =	sadd.s32 $0x80000000, s31  }
0x31: {  	vm0 =	vmand vm0, vm1;
	p1 =	slt.s32 @!p0 s11, s9  }
0x32: {  	p1 =	por p0, !p1  }
.Ltmp4:
0x33: {  	_ = 	snop;
	(pc) =	sbr.rel @!p1 .LBB2_3-.Ltmp4, $2  }
0x34: {  	_ =	sdelay $0x2  }
0x35: {  	s13 =	sadd.s32 $0x1, s13;
	s12 =	sadd.s32 $0x10, s12;
	[tilespmem:v3+s10+$0x0] =	vst.idx.msk vm0, v2  }
.Ltmp5:
0x36: {  	(pc) =	sbr.rel .LBB2_5-.Ltmp5, $2  }
0x37: {  	_ =	sdelay $0x2  }
0x38: {  	s11 =	smov.u32 @p0 s11  }
.LBB2_6:
0x39: {  	v0 =	vld [tilespmem:$0x400];
	_ =	sdelay $0x4  }
0x3a: {  	v1 =	vshll.u32 v0, $0x3  }
0x3b: {  	v2 =	vlaneseq.u32;
	v0 =	vand.u32 $0x7, v0;
	v1 =	vand.u32 $0xFFFFFFC0, v1  }
0x3c: {  	v63 =	vand.u32 $0x7, v2;
	v3 =	vshrl.u32 v2, $0x3;
	v0 =	vor.u32 v0, v1  }
0x3d: {  	v3 =	vmul.u32 $0x8, v3;
	v1 =	vperm.xlane v0, v63;
	_ =	sdelay $0x1  }
0x3e: {  	v1 =	vadd.s32 v3, v1;
	_ =	sdelay $0x3  }
0x3f: {  	vm0 =	vmmov $0xffff;
	s7 =	simm.s32 $0x0;
	s8 =	simm.s32 $0x480  }
0x40: {  	v2 =	vor.u32 $0x8, v2;
	[tilespmem:s8], [sflag:$0x1] =	stream.indirect_vreg.gather [hbm4b:s2+s7], $0x80, v1, vm0, $0xb8;
	[tilespmem:$0x4480] =	vst v63  }
0x41: {  	s9 =	simm.s32 $0xC80;
	v0 =	vperm.xlane v0, v2  }
0x42: {  	[tilespmem:s9], [sflag:$0x1] =	stream.indirect_vreg.gather [hbm4b:s5+s7], $0x80, v1, vm0, $0xb8;
	[tilespmem:$0x4480] =	vst v63  }
0x43: {  	s23 =	simm.s32 $0x1480;
	v0 =	vadd.s32 v3, v0  }
0x44: {  	[tilespmem:s23], [sflag:$0x1] =	stream.indirect_vreg.gather [hbm4b:s6+s7], $0x80, v1, vm0, $0xb8;
	[tilespmem:$0x4480] =	vst v63  }
0x45: {  	s24 =	simm.s32 $0x1C80  }
0x46: {  	[tilespmem:s24], [sflag:$0x1] =	stream.indirect_vreg.gather [hbm4b:s4+s7], $0x80, v1, vm0, $0xb8;
	[tilespmem:$0x4480] =	vst v63  }
0x47: {  	s25 =	simm.s32 $0x2480  }
0x48: {  	[tilespmem:s25], [sflag:$0x1] =	stream.indirect_vreg.gather [hbm4b:s2+s7], $0x80, v0, vm0, $0xb8;
	[tilespmem:$0x4480] =	vst v63  }
0x49: {  	s26 =	simm.s32 $0x2C80  }
0x4a: {  	[tilespmem:s26], [sflag:$0x1] =	stream.indirect_vreg.gather [hbm4b:s5+s7], $0x80, v0, vm0, $0xb8;
	[tilespmem:$0x4480] =	vst v63  }
0x4b: {  	s28 =	simm.s32 $0x3480  }
0x4c: {  	[tilespmem:s28], [sflag:$0x1] =	stream.indirect_vreg.gather [hbm4b:s6+s7], $0x80, v0, vm0, $0xb8;
	[tilespmem:$0x4480] =	vst v63  }
0x4d: {  	s29 =	simm.s32 $0x3C80;
	s30 =	simm.s32 $0x1  }
0x4e: {  	[tilespmem:s29], [sflag:$0x1] =	stream.indirect_vreg.gather [hbm4b:s4+s7], $0x80, v0, vm0, $0xb8;
	[tilespmem:$0x4480] =	vst v63  }
0x4f: {  	_ =	swait.ge [sflag:s30], $0x4000  }
0x50: {  	[sflag:s30] =	ssyncset.done $0x0  }
0x51: {  	s31 =	simm.s32 $0x2;
	[sflag:s30] =	ssyncadd.s32 $0xFFFFC000  }
0x52: {  	[hbm4b:s3+s7] =	stream.linear.scatter [tilespmem:s8], [sflag:$0x2], $0x4000, $0x38;
	[tilespmem:$0x4480] =	vst v63  }
0x53: {  	_ =	swait.ge [sflag:s31], $0x4000  }
0x54: {  	[sflag:s31] =	ssyncset.done $0x0  }
0x55: {  	[sflag:s31] =	ssyncadd.s32 $0xFFFFC000  }
.LBB2_7:
0x56: {  	_ =	sfence.sel $0x180000  }
0x57: {  	[bflag:$0x0] =	sbarrier.arrive $0xFFFF  }
0x58: {  	p0 =	sne.s32 s1, $0x0;
	_ =	strace $0x90000047  }
0x59: {  	s0 =	sadd.s32 @!p0 $0x100000, s0;
	[bflag:$0x2] =	sbarrier.arrive $0xFFFF  }
0x5a: {  	[sflag:s0] =	ssyncadd.tile.s32 @!p0 $0x1;
	_ =	shalt  }
.Lfunc_end2:
_tile_overlayer_lowered:
.L_overlay_start_2:
0x5b: {  	(tag) =	ssettag $0x2  }
0x5c: {  	s0 =	rddreg [dreg:$0x0];
	s2 =	stileid.u32  }
0x5d: {  	s1 =	rddreg [dreg:$0x1];
	p0 =	sne.s32 s2, $0x0  }
0x5e: {  	s3 =	rddreg [dreg:$0x2];
	[bflag:$0x3] =	sbarrier.arrive $0xFFFF;
	s2 =	simm.s32 @!p0 $0x1C02  }
0x5f: {  	[timem:s3], [sflag:s2] =	dma.local @!p0 [hbm:s0], s1  }
0x60: {  	s0 =	simm.s32 @!p0 $0x2  }
0x61: {  	_ =	swait.ge @!p0 [sflag:s0], s1  }
0x62: {  	s1 =	ssub.s32 @!p0 $0x0, s1;
	[sflag:s0] =	ssyncset.done @!p0 $0x0  }
0x63: {  	[sflag:s0] =	ssyncadd.s32 @!p0 s1  }
0x64: {  	[bflag:$0x3] =	sbarrier.arrive $0xFFFF  }
0x65: {  	_ =	shalt  }

</sc_bundles>
